<compile_context>
chip_gen: v7x
topology: tpu7x:2x2x1
jax: 0.10.2.dev20260603
libtpu: 0.0.44.dev20260713+nightly
codegen_flags: <defaults>
</compile_context>

<pallas_src>
import functools

import jax
import jax.numpy as jnp
from jax.experimental import pallas as pl
from jax.experimental.pallas import tpu as pltpu
from jax.experimental.pallas import tpu_sc as plsc

_NC = 2
_NS = 16
_NW = _NC * _NS


def _ymm_body(net, x_ref, w_ref, y_ref):
    xb = x_ref[...]
    for et in range(net):
        y_ref[et] = jax.lax.dot_general(
            xb, w_ref[et], (((1,), (1,)), ((), ())),
            preferred_element_type=jnp.float32)


def _lin_body(x_ref, w_ref, b_ref, z_ref):
    z_ref[...] = jax.lax.dot_general(
        x_ref[...], w_ref[...], (((1,), (1,)), ((), ())),
        preferred_element_type=jnp.float32) + b_ref[...]


def _bnfused_body(n_rows, nb, z_ref, p0_ref, p1_ref, g_ref, b_ref, o_ref,
                  h_ref, s_ref):
    it = pl.program_id(0)
    i = jax.lax.rem(it, nb)

    @pl.when(it < nb)
    def _():
        hb = jnp.maximum(z_ref[...] + p0_ref[0] + p1_ref[0], 0.0)
        h_ref[pl.ds(i * z_ref.shape[0], z_ref.shape[0]), :] = hb
        st = jnp.concatenate(
            [jnp.sum(hb, axis=0, keepdims=True),
             jnp.sum(hb * hb, axis=0, keepdims=True)], axis=0)

        @pl.when(it == 0)
        def _():
            s_ref[...] = st

        @pl.when(it > 0)
        def _():
            s_ref[...] = s_ref[...] + st

    @pl.when(it >= nb)
    def _():
        s = s_ref[...]
        mean = s[0:1] * (1.0 / n_rows)
        var = s[1:2] * (1.0 / n_rows) - mean * mean
        inv = jax.lax.rsqrt(var + 1e-5)
        hb = h_ref[pl.ds(i * o_ref.shape[0], o_ref.shape[0]), :]
        o_ref[...] = (hb - mean) * (g_ref[...] * inv) + b_ref[...]


def kernel(x, edge_index, edge_attr, conv_w, conv_b, lin_w, lin_b, bn_gamma, bn_beta):
    n, d = x.shape
    e = edge_attr.shape[0]
    net = conv_w.shape[0]

    cb = 80
    npad = ((n + _NS * 8 - 1) // (_NS * 8)) * (_NS * 8)
    rpt = npad // _NS
    nchunk = -(-e // (_NW * cb))
    epw = nchunk * cb
    epad = _NW * epw - e

    bn = 5000
    nb = n // bn
    y = pl.pallas_call(
        functools.partial(_ymm_body, net),
        grid=(nb,),
        in_specs=[pl.BlockSpec((bn, d), lambda i: (i, 0)),
                  pl.BlockSpec((net, d, d), lambda i: (0, 0, 0))],
        out_specs=pl.BlockSpec((net, bn, d), lambda i: (0, i, 0)),
        out_shape=jax.ShapeDtypeStruct((net, n, d), jnp.float32),
    )(x, conv_w)
    yf = y.reshape(net * n, d)

    gix = edge_attr * n + edge_index[0]
    if epad:
        pad0 = jnp.zeros((epad,), jnp.int32)
        gix = jnp.concatenate([gix, pad0]).reshape(_NW, nchunk, cb)
        dst = jnp.concatenate([edge_index[1], pad0 + n]).reshape(_NW, nchunk, cb)
    else:
        gix = gix.reshape(_NW, nchunk, cb)
        dst = edge_index[1].reshape(_NW, nchunk, cb)
    zeros = jnp.zeros((npad, d), jnp.float32)

    mesh = plsc.VectorSubcoreMesh(core_axis_name="c", subcore_axis_name="s",
                                  num_cores=_NC, num_subcores=_NS)

    @functools.partial(
        pl.kernel,
        out_type=jax.ShapeDtypeStruct((_NC, npad, d), jnp.float32),
        mesh=mesh,
        scratch_types=[
            pltpu.VMEM((nchunk, cb), jnp.int32),
            pltpu.VMEM((nchunk, cb), jnp.int32),
            pltpu.VMEM((cb, d), jnp.float32),
            pltpu.VMEM_SHARED((npad, d), jnp.float32),
            pltpu.SemaphoreType.DMA,
        ],
    )
    def _sc_edge(gix_h, dst_h, y_h, z_h, out_h,
                 gidx, didx, rb0, acc, sg0):
        cid = jax.lax.axis_index("c")
        sid = jax.lax.axis_index("s")
        wid = sid * _NC + cid
        pltpu.sync_copy(gix_h.at[wid], gidx)
        pltpu.sync_copy(dst_h.at[wid], didx)
        pltpu.sync_copy(z_h.at[pl.ds(sid * rpt, rpt)],
                        acc.at[pl.ds(sid * rpt, rpt)])
        plsc.subcore_barrier()

        def chunk(j, carry):
            pltpu.async_copy(y_h.at[gidx.at[j]], rb0, sg0).wait()
            pltpu.sync_copy(rb0, acc.at[didx.at[j]], add=True)
            return carry

        jax.lax.fori_loop(0, nchunk, chunk, 0)
        plsc.subcore_barrier()
        pltpu.sync_copy(acc.at[pl.ds(sid * rpt, rpt)],
                        out_h.at[cid, pl.ds(sid * rpt, rpt)])

    partials = _sc_edge(gix, dst, yf, zeros)

    btot = (lin_b + jnp.sum(conv_b, axis=0)).reshape(1, d)
    z = pl.pallas_call(
        _lin_body,
        grid=(nb,),
        in_specs=[pl.BlockSpec((bn, d), lambda i: (i, 0)),
                  pl.BlockSpec((d, d), lambda i: (0, 0)),
                  pl.BlockSpec((1, d), lambda i: (0, 0))],
        out_specs=pl.BlockSpec((bn, d), lambda i: (i, 0)),
        out_shape=jax.ShapeDtypeStruct((n, d), jnp.float32),
    )(x, lin_w, btot)

    out = pl.pallas_call(
        functools.partial(_bnfused_body, n, nb),
        grid=(2 * nb,),
        in_specs=[pl.BlockSpec((bn, d), lambda it: (jnp.where(it < nb, it, 0), 0)),
                  pl.BlockSpec((1, bn, d),
                               lambda it: (0, jnp.where(it < nb, it, 0), 0)),
                  pl.BlockSpec((1, bn, d),
                               lambda it: (1, jnp.where(it < nb, it, 0), 0)),
                  pl.BlockSpec((1, d), lambda it: (0, 0)),
                  pl.BlockSpec((1, d), lambda it: (0, 0))],
        out_specs=pl.BlockSpec((bn, d), lambda it: (it % nb, 0)),
        out_shape=jax.ShapeDtypeStruct((n, d), jnp.float32),
        scratch_shapes=[pltpu.VMEM((n, d), jnp.float32),
                        pltpu.VMEM((2, d), jnp.float32)],
    )(z, partials, partials, bn_gamma.reshape(1, d), bn_beta.reshape(1, d))
    return out

# --- scband reference (transcript-rebuilt; emitter-appended) ---
"""Pipeline reference for scband-graph-conv-52106543235734 (READ-ONLY COPY).

The authoritative reference and input builder live on the scoring server;
editing this copy changes nothing except your own understanding.
"""

import jax, jax.numpy as jnp
import numpy as np

N, E, D, NUM_ET = 10000, 320000, 128, 3


def setup_inputs(seed: int = 0) -> dict:
    key = jax.random.key(seed)
    ks = jax.random.split(key, 10)
    x = jax.random.normal(ks[0], (N, D), dtype=jnp.float32)
    edge_index = jax.random.randint(ks[1], (2, E), 0, N, dtype=jnp.int32)
    edge_attr = jax.random.randint(ks[2], (E,), 0, NUM_ET, dtype=jnp.int32)
    # Per-edge-type GC (PyG GraphConv-style) lin_rel weights; x_dst=None so lin_root unused.
    conv_w = jax.random.normal(ks[3], (NUM_ET, D, D), dtype=jnp.float32) * (1.0 / np.sqrt(D))
    conv_b = jax.random.normal(ks[4], (NUM_ET, D), dtype=jnp.float32) * 0.01
    # Skip linear
    lin_w = jax.random.normal(ks[5], (D, D), dtype=jnp.float32) * (1.0 / np.sqrt(D))
    lin_b = jax.random.normal(ks[6], (D,), dtype=jnp.float32) * 0.01
    # BatchNorm1d affine params (training mode -> batch stats)
    bn_gamma = jnp.ones((D,), dtype=jnp.float32)
    bn_beta = jnp.zeros((D,), dtype=jnp.float32)
    return {"x": x, "edge_index": edge_index, "edge_attr": edge_attr,
            "conv_w": conv_w, "conv_b": conv_b, "lin_w": lin_w, "lin_b": lin_b,
            "bn_gamma": bn_gamma, "bn_beta": bn_beta}


def reference(x, edge_index, edge_attr, conv_w, conv_b, lin_w, lin_b, bn_gamma, bn_beta):
    src = edge_index[0]
    dst = edge_index[1]
    n_nodes = x.shape[0]
    outputs = x @ lin_w.T + lin_b
    x_src = jnp.take(x, src, axis=0)  # gather, SparseCore friendly
    for et in range(NUM_ET):
        mask = (edge_attr == et).astype(x.dtype)[:, None]
        # edge_index[:, edge_attr == et] realized via masked messages (same math)
        msgs = x_src * mask
        aggr = jax.ops.segment_sum(msgs, dst, num_segments=n_nodes)  # scatter-add
        outputs = outputs + aggr @ conv_w[et].T + conv_b[et]
    h = jax.nn.relu(outputs)
    mean = jnp.mean(h, axis=0)
    var = jnp.var(h, axis=0)  # biased, matches torch BN training
    h_hat = (h - mean) / jnp.sqrt(var + 1e-5)
    return h_hat * bn_gamma + bn_beta

if __name__ == "__main__":
    import jax
    _d = setup_inputs()
    print(jax.jit(kernel)(*tuple(_d.values())))

</pallas_src>

<mosaic_0001>
#map = affine_map<(d0, d1) -> (0, 0, 0)>
#map1 = affine_map<(d0, d1) -> (0, 0)>
module attributes {stable_mosaic.version = 14 : i64} {
  func.func @_sc_edge(%arg0: i32, %arg1: i32, %arg2: memref<32x125x80xi32, #tpu.memory_space<hbm>>, %arg3: memref<32x125x80xi32, #tpu.memory_space<hbm>>, %arg4: memref<30000x128xf32, #tpu.memory_space<hbm>>, %arg5: memref<10112x128xf32, #tpu.memory_space<hbm>>, %arg6: memref<2x10112x128xf32, #tpu.memory_space<hbm>>, %arg7: memref<125x80xi32, #tpu.memory_space<vmem>>, %arg8: memref<125x80xi32, #tpu.memory_space<vmem>>, %arg9: memref<80x128xf32, #tpu.memory_space<vmem>>, %arg10: memref<10112x128xf32, #tpu.memory_space<vmem_shared>>, %arg11: memref<!tpu.dma_semaphore, #tpu.memory_space<semaphore_mem>>) attributes {dimension_semantics = [#tpu.dimension_semantics<core_parallel>, #tpu.dimension_semantics<subcore_parallel>], iteration_bounds = array<i64: 2, 16>, scalar_prefetch = 0 : i64, scratch_operands = 5 : i64, tpu.core_type = #tpu.core_type<sc_vector_subcore>, window_params = [{transform_indices = #map}, {transform_indices = #map}, {transform_indices = #map1}, {transform_indices = #map1}, {transform_indices = #map}]} {
    %mul3A = arith.constant 2 : i32
    %mul3A_0 = arith.muli %arg1, %mul3A : i32
    %add3A = arith.addi %mul3A_0, %arg0 : i32
    "tpu.region"() ({
      %run_scoped3A = tpu.sem_alloc : memref<!tpu.dma_semaphore, #tpu.memory_space<semaphore_mem>>
      %dma_start3A = arith.constant 0 : i32
      %dma_start3A_15 = arith.constant 0 : i32
      %dma_start3A_16 = tpu.memref_slice %arg2[%add3A, %dma_start3A, %dma_start3A_15] : memref<32x125x80xi32, #tpu.memory_space<hbm>> -> memref<1x125x80xi32, #tpu.memory_space<hbm>>
      %dma_start3A_17 = tpu.memref_squeeze %dma_start3A_16 : memref<1x125x80xi32, #tpu.memory_space<hbm>> -> memref<125x80xi32, #tpu.memory_space<hbm>>
      %dma_start3A_18 = arith.constant 0 : i32
      %dma_start3A_19 = arith.constant 0 : i32
      %dma_start3A_20 = tpu.memref_slice %arg2[%add3A, %dma_start3A_18, %dma_start3A_19] : memref<32x125x80xi32, #tpu.memory_space<hbm>> -> memref<1x125x80xi32, #tpu.memory_space<hbm>>
      %dma_start3A_21 = tpu.memref_squeeze %dma_start3A_20 : memref<1x125x80xi32, #tpu.memory_space<hbm>> -> memref<125x80xi32, #tpu.memory_space<hbm>>
      tpu.enqueue_dma source(%dma_start3A_21 : memref<125x80xi32, #tpu.memory_space<hbm>>) target(%arg7 : memref<125x80xi32, #tpu.memory_space<vmem>>) target_semaphore(%run_scoped3A : memref<!tpu.dma_semaphore, #tpu.memory_space<semaphore_mem>>)
      %dma_wait3A = arith.constant 0 : i32
      %dma_wait3A_22 = arith.constant 0 : i32
      %dma_wait3A_23 = tpu.memref_slice %arg2[%add3A, %dma_wait3A, %dma_wait3A_22] : memref<32x125x80xi32, #tpu.memory_space<hbm>> -> memref<1x125x80xi32, #tpu.memory_space<hbm>>
      %dma_wait3A_24 = tpu.memref_squeeze %dma_wait3A_23 : memref<1x125x80xi32, #tpu.memory_space<hbm>> -> memref<125x80xi32, #tpu.memory_space<hbm>>
      %dma_wait3A_25 = arith.constant 0 : i32
      %dma_wait3A_26 = arith.constant 0 : i32
      %dma_wait3A_27 = tpu.memref_slice %arg2[%add3A, %dma_wait3A_25, %dma_wait3A_26] : memref<32x125x80xi32, #tpu.memory_space<hbm>> -> memref<1x125x80xi32, #tpu.memory_space<hbm>>
      %dma_wait3A_28 = tpu.memref_squeeze %dma_wait3A_27 : memref<1x125x80xi32, #tpu.memory_space<hbm>> -> memref<125x80xi32, #tpu.memory_space<hbm>>
      tpu.wait_dma2 semaphore(%run_scoped3A : memref<!tpu.dma_semaphore, #tpu.memory_space<semaphore_mem>>) src(%dma_wait3A_28 : memref<125x80xi32, #tpu.memory_space<hbm>>) dst(%arg7 : memref<125x80xi32, #tpu.memory_space<vmem>>)
      tpu.yield
    }) : () -> ()
    "tpu.region"() ({
      %run_scoped3A = tpu.sem_alloc : memref<!tpu.dma_semaphore, #tpu.memory_space<semaphore_mem>>
      %dma_start3A = arith.constant 0 : i32
      %dma_start3A_15 = arith.constant 0 : i32
      %dma_start3A_16 = tpu.memref_slice %arg3[%add3A, %dma_start3A, %dma_start3A_15] : memref<32x125x80xi32, #tpu.memory_space<hbm>> -> memref<1x125x80xi32, #tpu.memory_space<hbm>>
      %dma_start3A_17 = tpu.memref_squeeze %dma_start3A_16 : memref<1x125x80xi32, #tpu.memory_space<hbm>> -> memref<125x80xi32, #tpu.memory_space<hbm>>
      %dma_start3A_18 = arith.constant 0 : i32
      %dma_start3A_19 = arith.constant 0 : i32
      %dma_start3A_20 = tpu.memref_slice %arg3[%add3A, %dma_start3A_18, %dma_start3A_19] : memref<32x125x80xi32, #tpu.memory_space<hbm>> -> memref<1x125x80xi32, #tpu.memory_space<hbm>>
      %dma_start3A_21 = tpu.memref_squeeze %dma_start3A_20 : memref<1x125x80xi32, #tpu.memory_space<hbm>> -> memref<125x80xi32, #tpu.memory_space<hbm>>
      tpu.enqueue_dma source(%dma_start3A_21 : memref<125x80xi32, #tpu.memory_space<hbm>>) target(%arg8 : memref<125x80xi32, #tpu.memory_space<vmem>>) target_semaphore(%run_scoped3A : memref<!tpu.dma_semaphore, #tpu.memory_space<semaphore_mem>>)
      %dma_wait3A = arith.constant 0 : i32
      %dma_wait3A_22 = arith.constant 0 : i32
      %dma_wait3A_23 = tpu.memref_slice %arg3[%add3A, %dma_wait3A, %dma_wait3A_22] : memref<32x125x80xi32, #tpu.memory_space<hbm>> -> memref<1x125x80xi32, #tpu.memory_space<hbm>>
      %dma_wait3A_24 = tpu.memref_squeeze %dma_wait3A_23 : memref<1x125x80xi32, #tpu.memory_space<hbm>> -> memref<125x80xi32, #tpu.memory_space<hbm>>
      %dma_wait3A_25 = arith.constant 0 : i32
      %dma_wait3A_26 = arith.constant 0 : i32
      %dma_wait3A_27 = tpu.memref_slice %arg3[%add3A, %dma_wait3A_25, %dma_wait3A_26] : memref<32x125x80xi32, #tpu.memory_space<hbm>> -> memref<1x125x80xi32, #tpu.memory_space<hbm>>
      %dma_wait3A_28 = tpu.memref_squeeze %dma_wait3A_27 : memref<1x125x80xi32, #tpu.memory_space<hbm>> -> memref<125x80xi32, #tpu.memory_space<hbm>>
      tpu.wait_dma2 semaphore(%run_scoped3A : memref<!tpu.dma_semaphore, #tpu.memory_space<semaphore_mem>>) src(%dma_wait3A_28 : memref<125x80xi32, #tpu.memory_space<hbm>>) dst(%arg8 : memref<125x80xi32, #tpu.memory_space<vmem>>)
      tpu.yield
    }) : () -> ()
    %mul3A_1 = arith.constant 632 : i32
    %mul3A_2 = arith.muli %arg1, %mul3A_1 : i32
    %mul3A_3 = arith.constant 632 : i32
    %mul3A_4 = arith.muli %arg1, %mul3A_3 : i32
    "tpu.region"() ({
      %run_scoped3A = tpu.sem_alloc : memref<!tpu.dma_semaphore, #tpu.memory_space<semaphore_mem>>
      %dma_start3A = arith.constant 0 : i32
      %dma_start3A_15 = tpu.memref_slice %arg10[%mul3A_4, %dma_start3A] : memref<10112x128xf32, #tpu.memory_space<vmem_shared>> -> memref<632x128xf32, #tpu.memory_space<vmem_shared>>
      %dma_start3A_16 = arith.constant 0 : i32
      %dma_start3A_17 = tpu.memref_slice %arg5[%mul3A_2, %dma_start3A_16] : memref<10112x128xf32, #tpu.memory_space<hbm>> -> memref<632x128xf32, #tpu.memory_space<hbm>>
      tpu.enqueue_dma source(%dma_start3A_17 : memref<632x128xf32, #tpu.memory_space<hbm>>) target(%dma_start3A_15 : memref<632x128xf32, #tpu.memory_space<vmem_shared>>) target_semaphore(%run_scoped3A : memref<!tpu.dma_semaphore, #tpu.memory_space<semaphore_mem>>)
      %dma_wait3A = arith.constant 0 : i32
      %dma_wait3A_18 = tpu.memref_slice %arg10[%mul3A_4, %dma_wait3A] : memref<10112x128xf32, #tpu.memory_space<vmem_shared>> -> memref<632x128xf32, #tpu.memory_space<vmem_shared>>
      %dma_wait3A_19 = arith.constant 0 : i32
      %dma_wait3A_20 = tpu.memref_slice %arg5[%mul3A_2, %dma_wait3A_19] : memref<10112x128xf32, #tpu.memory_space<hbm>> -> memref<632x128xf32, #tpu.memory_space<hbm>>
      tpu.wait_dma2 semaphore(%run_scoped3A : memref<!tpu.dma_semaphore, #tpu.memory_space<semaphore_mem>>) src(%dma_wait3A_20 : memref<632x128xf32, #tpu.memory_space<hbm>>) dst(%dma_wait3A_18 : memref<632x128xf32, #tpu.memory_space<vmem_shared>>)
      tpu.yield
    }) : () -> ()
    %barrier3A = arith.constant 0 : index
    tpu.barrier barrier_id(%barrier3A)
    %scan3A = arith.constant 0 : i32
    %scan3A_5 = arith.constant 0 : i32
    %scan3A_6 = arith.constant 125 : i32
    %scan3A_7 = arith.addi %scan3A_5, %scan3A_6 : i32
    %scan3A_8 = arith.constant 1 : i32
    scf.for %scan3A_15 = %scan3A_5 to %scan3A_7 step %scan3A_8  : i32 {
      %dma_start3A = arith.constant 0 : i32
      %dma_start3A_16 = tpu.memref_slice %arg7[%scan3A_15, %dma_start3A] : memref<125x80xi32, #tpu.memory_space<vmem>> -> memref<1x80xi32, #tpu.memory_space<vmem>>
      %dma_start3A_17 = tpu.memref_squeeze %dma_start3A_16 : memref<1x80xi32, #tpu.memory_space<vmem>> -> memref<80xi32, #tpu.memory_space<vmem>>
      %dma_start3A_18 = arith.constant 0 : i32
      %dma_start3A_19 = arith.constant 0 : i32
      %dma_start3A_20 = tpu.memref_slice %arg4[%dma_start3A_18, %dma_start3A_19] : memref<30000x128xf32, #tpu.memory_space<hbm>> -> memref<30000x128xf32, #tpu.memory_space<hbm>>
      tpu.enqueue_indirect_dma source(%dma_start3A_20 : memref<30000x128xf32, #tpu.memory_space<hbm>>) target(%arg9 : memref<80x128xf32, #tpu.memory_space<vmem>>) offsets(%dma_start3A_17 : memref<80xi32, #tpu.memory_space<vmem>>) semaphore(%arg11 : memref<!tpu.dma_semaphore, #tpu.memory_space<semaphore_mem>>)
      %dma_wait3A = arith.constant 0 : i32
      %dma_wait3A_21 = tpu.memref_slice %arg7[%scan3A_15, %dma_wait3A] : memref<125x80xi32, #tpu.memory_space<vmem>> -> memref<1x80xi32, #tpu.memory_space<vmem>>
      %dma_wait3A_22 = tpu.memref_squeeze %dma_wait3A_21 : memref<1x80xi32, #tpu.memory_space<vmem>> -> memref<80xi32, #tpu.memory_space<vmem>>
      %dma_wait3A_23 = arith.constant 0 : i32
      %dma_wait3A_24 = arith.constant 0 : i32
      %dma_wait3A_25 = tpu.memref_slice %arg4[%dma_wait3A_23, %dma_wait3A_24] : memref<30000x128xf32, #tpu.memory_space<hbm>> -> memref<30000x128xf32, #tpu.memory_space<hbm>>
      tpu.wait_indirect_dma semaphore(%arg11 : memref<!tpu.dma_semaphore, #tpu.memory_space<semaphore_mem>>) src(%dma_wait3A_25 : memref<30000x128xf32, #tpu.memory_space<hbm>>) dst(%arg9 : memref<80x128xf32, #tpu.memory_space<vmem>>)
      "tpu.region"() ({
        %run_scoped3A = tpu.sem_alloc : memref<!tpu.dma_semaphore, #tpu.memory_space<semaphore_mem>>
        %dma_start3A_26 = arith.constant 0 : i32
        %dma_start3A_27 = tpu.memref_slice %arg8[%scan3A_15, %dma_start3A_26] : memref<125x80xi32, #tpu.memory_space<vmem>> -> memref<1x80xi32, #tpu.memory_space<vmem>>
        %dma_start3A_28 = tpu.memref_squeeze %dma_start3A_27 : memref<1x80xi32, #tpu.memory_space<vmem>> -> memref<80xi32, #tpu.memory_space<vmem>>
        %dma_start3A_29 = arith.constant 0 : i32
        %dma_start3A_30 = arith.constant 0 : i32
        %dma_start3A_31 = tpu.memref_slice %arg10[%dma_start3A_29, %dma_start3A_30] : memref<10112x128xf32, #tpu.memory_space<vmem_shared>> -> memref<10112x128xf32, #tpu.memory_space<vmem_shared>>
        tpu.enqueue_indirect_dma source(%arg9 : memref<80x128xf32, #tpu.memory_space<vmem>>) target(%dma_start3A_31 : memref<10112x128xf32, #tpu.memory_space<vmem_shared>>) offsets(%dma_start3A_28 : memref<80xi32, #tpu.memory_space<vmem>>) semaphore(%run_scoped3A : memref<!tpu.dma_semaphore, #tpu.memory_space<semaphore_mem>>) {add = true}
        %dma_wait3A_32 = arith.constant 0 : i32
        %dma_wait3A_33 = tpu.memref_slice %arg8[%scan3A_15, %dma_wait3A_32] : memref<125x80xi32, #tpu.memory_space<vmem>> -> memref<1x80xi32, #tpu.memory_space<vmem>>
        %dma_wait3A_34 = tpu.memref_squeeze %dma_wait3A_33 : memref<1x80xi32, #tpu.memory_space<vmem>> -> memref<80xi32, #tpu.memory_space<vmem>>
        %dma_wait3A_35 = arith.constant 0 : i32
        %dma_wait3A_36 = arith.constant 0 : i32
        %dma_wait3A_37 = tpu.memref_slice %arg10[%dma_wait3A_35, %dma_wait3A_36] : memref<10112x128xf32, #tpu.memory_space<vmem_shared>> -> memref<10112x128xf32, #tpu.memory_space<vmem_shared>>
        tpu.wait_indirect_dma semaphore(%run_scoped3A : memref<!tpu.dma_semaphore, #tpu.memory_space<semaphore_mem>>) src(%arg9 : memref<80x128xf32, #tpu.memory_space<vmem>>) dst(%dma_wait3A_37 : memref<10112x128xf32, #tpu.memory_space<vmem_shared>>)
        tpu.yield
      }) : () -> ()
    }
    %scan3A_9 = arith.constant 125 : i32
    %barrier3A_10 = arith.constant 0 : index
    tpu.barrier barrier_id(%barrier3A_10)
    %mul3A_11 = arith.constant 632 : i32
    %mul3A_12 = arith.muli %arg1, %mul3A_11 : i32
    %mul3A_13 = arith.constant 632 : i32
    %mul3A_14 = arith.muli %arg1, %mul3A_13 : i32
    "tpu.region"() ({
      %run_scoped3A = tpu.sem_alloc : memref<!tpu.dma_semaphore, #tpu.memory_space<semaphore_mem>>
      %dma_start3A = arith.constant 0 : i32
      %dma_start3A_15 = tpu.memref_slice %arg6[%arg0, %mul3A_14, %dma_start3A] : memref<2x10112x128xf32, #tpu.memory_space<hbm>> -> memref<1x632x128xf32, #tpu.memory_space<hbm>>
      %dma_start3A_16 = tpu.memref_squeeze %dma_start3A_15 : memref<1x632x128xf32, #tpu.memory_space<hbm>> -> memref<632x128xf32, #tpu.memory_space<hbm>>
      %dma_start3A_17 = arith.constant 0 : i32
      %dma_start3A_18 = tpu.memref_slice %arg10[%mul3A_12, %dma_start3A_17] : memref<10112x128xf32, #tpu.memory_space<vmem_shared>> -> memref<632x128xf32, #tpu.memory_space<vmem_shared>>
      tpu.enqueue_dma source(%dma_start3A_18 : memref<632x128xf32, #tpu.memory_space<vmem_shared>>) target(%dma_start3A_16 : memref<632x128xf32, #tpu.memory_space<hbm>>) target_semaphore(%run_scoped3A : memref<!tpu.dma_semaphore, #tpu.memory_space<semaphore_mem>>)
      %dma_wait3A = arith.constant 0 : i32
      %dma_wait3A_19 = tpu.memref_slice %arg6[%arg0, %mul3A_14, %dma_wait3A] : memref<2x10112x128xf32, #tpu.memory_space<hbm>> -> memref<1x632x128xf32, #tpu.memory_space<hbm>>
      %dma_wait3A_20 = tpu.memref_squeeze %dma_wait3A_19 : memref<1x632x128xf32, #tpu.memory_space<hbm>> -> memref<632x128xf32, #tpu.memory_space<hbm>>
      %dma_wait3A_21 = arith.constant 0 : i32
      %dma_wait3A_22 = tpu.memref_slice %arg10[%mul3A_12, %dma_wait3A_21] : memref<10112x128xf32, #tpu.memory_space<vmem_shared>> -> memref<632x128xf32, #tpu.memory_space<vmem_shared>>
      tpu.wait_dma2 semaphore(%run_scoped3A : memref<!tpu.dma_semaphore, #tpu.memory_space<semaphore_mem>>) src(%dma_wait3A_22 : memref<632x128xf32, #tpu.memory_space<vmem_shared>>) dst(%dma_wait3A_20 : memref<632x128xf32, #tpu.memory_space<hbm>>)
      tpu.yield
    }) : () -> ()
    return
  }
}

module attributes {stable_mosaic.version = 14 : i64} {
  func.func @_ymm_body(%arg0: i32, %arg1: memref<5000x128xf32, #tpu.memory_space<vmem>>, %arg2: memref<3x128x128xf32, #tpu.memory_space<vmem>>, %arg3: memref<3x5000x128xf32, #tpu.memory_space<vmem>>) attributes {dimension_semantics = [#tpu.dimension_semantics<arbitrary>], iteration_bounds = array<i64: 2>, scalar_prefetch = 0 : i64, scratch_operands = 0 : i64, tpu.core_type = #tpu.core_type<tc>, window_params = [{transform_indices = @transform_0, window_bounds = array<i64: 5000, 128>}, {pipeline_mode = #tpu.pipeline_mode<synchronous>, transform_indices = @transform_1, window_bounds = array<i64: 3, 128, 128>}, {transform_indices = @transform_2, window_bounds = array<i64: 3, 5000, 128>}]} {
    %get3A = arith.constant 0 : index
    %get3A_0 = arith.constant 0 : index
    %get3A_1 = vector.load %arg1[%get3A, %get3A_0] : memref<5000x128xf32, #tpu.memory_space<vmem>>, vector<5000x128xf32>
    %get3A_2 = arith.constant 0 : index
    %get3A_3 = arith.constant 0 : index
    %get3A_4 = arith.constant 0 : index
    %get3A_5 = vector.load %arg2[%get3A_2, %get3A_3, %get3A_4] : memref<3x128x128xf32, #tpu.memory_space<vmem>>, vector<1x128x128xf32>
    %get3A_6 = vector.shape_cast %get3A_5 : vector<1x128x128xf32> to vector<128x128xf32>
    %dot_general3A = arith.constant dense<0.000000e+00> : vector<5000x128xf32>
    %dot_general3A_7 = tpu.matmul %get3A_1, %get3A_6, %dot_general3A {dimension_numbers = #tpu.dot_dimension_numbers<[1], [1], [0], [0], [0, 0, 1, 0], [], []>, transpose_lhs_hint = false} : vector<5000x128xf32>, vector<128x128xf32>, vector<5000x128xf32> -> vector<5000x128xf32>
    %swap3A = arith.constant 0 : index
    %swap3A_8 = arith.constant 0 : index
    %swap3A_9 = arith.constant 0 : index
    %swap3A_10 = vector.load %arg3[%swap3A, %swap3A_8, %swap3A_9] : memref<3x5000x128xf32, #tpu.memory_space<vmem>>, vector<1x5000x128xf32>
    %swap3A_11 = vector.shape_cast %swap3A_10 : vector<1x5000x128xf32> to vector<5000x128xf32>
    %swap3A_12 = vector.shape_cast %dot_general3A_7 : vector<5000x128xf32> to vector<1x5000x128xf32>
    tpu.vector_store %arg3[%swap3A, %swap3A_8, %swap3A_9], %swap3A_12 {strides = array<i32>} : memref<3x5000x128xf32, #tpu.memory_space<vmem>>, vector<1x5000x128xf32>,
    %get3A_13 = arith.constant 1 : index
    %get3A_14 = arith.constant 0 : index
    %get3A_15 = arith.constant 0 : index
    %get3A_16 = vector.load %arg2[%get3A_13, %get3A_14, %get3A_15] : memref<3x128x128xf32, #tpu.memory_space<vmem>>, vector<1x128x128xf32>
    %get3A_17 = vector.shape_cast %get3A_16 : vector<1x128x128xf32> to vector<128x128xf32>
    %dot_general3A_18 = arith.constant dense<0.000000e+00> : vector<5000x128xf32>
    %dot_general3A_19 = tpu.matmul %get3A_1, %get3A_17, %dot_general3A_18 {dimension_numbers = #tpu.dot_dimension_numbers<[1], [1], [0], [0], [0, 0, 1, 0], [], []>, transpose_lhs_hint = false} : vector<5000x128xf32>, vector<128x128xf32>, vector<5000x128xf32> -> vector<5000x128xf32>
    %swap3A_20 = arith.constant 1 : index
    %swap3A_21 = arith.constant 0 : index
    %swap3A_22 = arith.constant 0 : index
    %swap3A_23 = vector.load %arg3[%swap3A_20, %swap3A_21, %swap3A_22] : memref<3x5000x128xf32, #tpu.memory_space<vmem>>, vector<1x5000x128xf32>
    %swap3A_24 = vector.shape_cast %swap3A_23 : vector<1x5000x128xf32> to vector<5000x128xf32>
    %swap3A_25 = vector.shape_cast %dot_general3A_19 : vector<5000x128xf32> to vector<1x5000x128xf32>
    tpu.vector_store %arg3[%swap3A_20, %swap3A_21, %swap3A_22], %swap3A_25 {strides = array<i32>} : memref<3x5000x128xf32, #tpu.memory_space<vmem>>, vector<1x5000x128xf32>,
    %get3A_26 = arith.constant 2 : index
    %get3A_27 = arith.constant 0 : index
    %get3A_28 = arith.constant 0 : index
    %get3A_29 = vector.load %arg2[%get3A_26, %get3A_27, %get3A_28] : memref<3x128x128xf32, #tpu.memory_space<vmem>>, vector<1x128x128xf32>
    %get3A_30 = vector.shape_cast %get3A_29 : vector<1x128x128xf32> to vector<128x128xf32>
    %dot_general3A_31 = arith.constant dense<0.000000e+00> : vector<5000x128xf32>
    %dot_general3A_32 = tpu.matmul %get3A_1, %get3A_30, %dot_general3A_31 {dimension_numbers = #tpu.dot_dimension_numbers<[1], [1], [0], [0], [0, 0, 1, 0], [], []>, transpose_lhs_hint = false} : vector<5000x128xf32>, vector<128x128xf32>, vector<5000x128xf32> -> vector<5000x128xf32>
    %swap3A_33 = arith.constant 2 : index
    %swap3A_34 = arith.constant 0 : index
    %swap3A_35 = arith.constant 0 : index
    %swap3A_36 = vector.load %arg3[%swap3A_33, %swap3A_34, %swap3A_35] : memref<3x5000x128xf32, #tpu.memory_space<vmem>>, vector<1x5000x128xf32>
    %swap3A_37 = vector.shape_cast %swap3A_36 : vector<1x5000x128xf32> to vector<5000x128xf32>
    %swap3A_38 = vector.shape_cast %dot_general3A_32 : vector<5000x128xf32> to vector<1x5000x128xf32>
    tpu.vector_store %arg3[%swap3A_33, %swap3A_34, %swap3A_35], %swap3A_38 {strides = array<i32>} : memref<3x5000x128xf32, #tpu.memory_space<vmem>>, vector<1x5000x128xf32>,
    return
  }
  func.func @transform_0(%arg0: i32) -> (i32, i32) {
    %c0_i32 = arith.constant 0 : i32
    %c0_i32_0 = arith.constant 0 : i32
    return %arg0, %c0_i32 : i32, i32
  }
  func.func @transform_1(%arg0: i32) -> (i32, i32, i32) {
    %c0_i32 = arith.constant 0 : i32
    %c0_i32_0 = arith.constant 0 : i32
    %c0_i32_1 = arith.constant 0 : i32
    %c0_i32_2 = arith.constant 0 : i32
    return %c0_i32, %c0_i32_0, %c0_i32_1 : i32, i32, i32
  }
  func.func @transform_2(%arg0: i32) -> (i32, i32, i32) {
    %c0_i32 = arith.constant 0 : i32
    %c0_i32_0 = arith.constant 0 : i32
    %c0_i32_1 = arith.constant 0 : i32
    return %c0_i32, %arg0, %c0_i32_0 : i32, i32, i32
  }
}

module attributes {stable_mosaic.version = 14 : i64} {
  func.func @_lin_body(%arg0: i32, %arg1: memref<5000x128xf32, #tpu.memory_space<vmem>>, %arg2: memref<128x128xf32, #tpu.memory_space<vmem>>, %arg3: memref<1x128xf32, #tpu.memory_space<vmem>>, %arg4: memref<5000x128xf32, #tpu.memory_space<vmem>>) attributes {dimension_semantics = [#tpu.dimension_semantics<arbitrary>], iteration_bounds = array<i64: 2>, scalar_prefetch = 0 : i64, scratch_operands = 0 : i64, tpu.core_type = #tpu.core_type<tc>, window_params = [{transform_indices = @transform_0, window_bounds = array<i64: 5000, 128>}, {pipeline_mode = #tpu.pipeline_mode<synchronous>, transform_indices = @transform_1, window_bounds = array<i64: 128, 128>}, {pipeline_mode = #tpu.pipeline_mode<synchronous>, transform_indices = @transform_2, window_bounds = array<i64: 1, 128>}, {transform_indices = @transform_3, window_bounds = array<i64: 5000, 128>}]} {
    %get3A = arith.constant 0 : index
    %get3A_0 = arith.constant 0 : index
    %get3A_1 = vector.load %arg1[%get3A, %get3A_0] : memref<5000x128xf32, #tpu.memory_space<vmem>>, vector<5000x128xf32>
    %get3A_2 = arith.constant 0 : index
    %get3A_3 = arith.constant 0 : index
    %get3A_4 = vector.load %arg2[%get3A_2, %get3A_3] : memref<128x128xf32, #tpu.memory_space<vmem>>, vector<128x128xf32>
    %dot_general3A = arith.constant dense<0.000000e+00> : vector<5000x128xf32>
    %dot_general3A_5 = tpu.matmul %get3A_1, %get3A_4, %dot_general3A {dimension_numbers = #tpu.dot_dimension_numbers<[1], [1], [0], [0], [0, 0, 1, 0], [], []>, transpose_lhs_hint = false} : vector<5000x128xf32>, vector<128x128xf32>, vector<5000x128xf32> -> vector<5000x128xf32>
    %get3A_6 = arith.constant 0 : index
    %get3A_7 = arith.constant 0 : index
    %get3A_8 = vector.load %arg3[%get3A_6, %get3A_7] : memref<1x128xf32, #tpu.memory_space<vmem>>, vector<1x128xf32>
    %add3A = vector.broadcast %get3A_8 : vector<1x128xf32> to vector<5000x128xf32>
    %add3A_9 = arith.addf %dot_general3A_5, %add3A : vector<5000x128xf32>
    %swap3A = arith.constant 0 : index
    %swap3A_10 = arith.constant 0 : index
    %swap3A_11 = vector.load %arg4[%swap3A, %swap3A_10] : memref<5000x128xf32, #tpu.memory_space<vmem>>, vector<5000x128xf32>
    tpu.vector_store %arg4[%swap3A, %swap3A_10], %add3A_9 {strides = array<i32>} : memref<5000x128xf32, #tpu.memory_space<vmem>>, vector<5000x128xf32>,
    return
  }
  func.func @transform_0(%arg0: i32) -> (i32, i32) {
    %c0_i32 = arith.constant 0 : i32
    %c0_i32_0 = arith.constant 0 : i32
    return %arg0, %c0_i32 : i32, i32
  }
  func.func @transform_1(%arg0: i32) -> (i32, i32) {
    %c0_i32 = arith.constant 0 : i32
    %c0_i32_0 = arith.constant 0 : i32
    %c0_i32_1 = arith.constant 0 : i32
    return %c0_i32, %c0_i32_0 : i32, i32
  }
  func.func @transform_2(%arg0: i32) -> (i32, i32) {
    %c0_i32 = arith.constant 0 : i32
    %c0_i32_0 = arith.constant 0 : i32
    %c0_i32_1 = arith.constant 0 : i32
    return %c0_i32, %c0_i32_0 : i32, i32
  }
  func.func @transform_3(%arg0: i32) -> (i32, i32) {
    %c0_i32 = arith.constant 0 : i32
    %c0_i32_0 = arith.constant 0 : i32
    return %arg0, %c0_i32 : i32, i32
  }
}

module attributes {stable_mosaic.version = 14 : i64} {
  func.func @_bnfused_body(%arg0: i32, %arg1: memref<5000x128xf32, #tpu.memory_space<vmem>>, %arg2: memref<1x5000x128xf32, #tpu.memory_space<vmem>>, %arg3: memref<1x5000x128xf32, #tpu.memory_space<vmem>>, %arg4: memref<1x128xf32, #tpu.memory_space<vmem>>, %arg5: memref<1x128xf32, #tpu.memory_space<vmem>>, %arg6: memref<5000x128xf32, #tpu.memory_space<vmem>>, %arg7: memref<10000x128xf32, #tpu.memory_space<vmem>>, %arg8: memref<2x128xf32, #tpu.memory_space<vmem>>) attributes {dimension_semantics = [#tpu.dimension_semantics<arbitrary>], iteration_bounds = array<i64: 4>, scalar_prefetch = 0 : i64, scratch_operands = 2 : i64, tpu.core_type = #tpu.core_type<tc>, window_params = [{transform_indices = @transform_0, window_bounds = array<i64: 5000, 128>}, {transform_indices = @transform_1, window_bounds = array<i64: 1, 5000, 128>}, {transform_indices = @transform_2, window_bounds = array<i64: 1, 5000, 128>}, {pipeline_mode = #tpu.pipeline_mode<synchronous>, transform_indices = @transform_3, window_bounds = array<i64: 1, 128>}, {pipeline_mode = #tpu.pipeline_mode<synchronous>, transform_indices = @transform_4, window_bounds = array<i64: 1, 128>}, {transform_indices = @transform_5, window_bounds = array<i64: 5000, 128>}]} {
    %rem3A = arith.constant 2 : i32
    %rem3A_0 = arith.remsi %arg0, %rem3A : i32
    %lt3A = arith.constant 2 : i32
    %lt3A_1 = arith.cmpi slt, %arg0, %lt3A : i32
    %convert_element_type3A = arith.extui %lt3A_1 : i1 to i32
    %cond3A = arith.constant 0 : i32
    %cond3A_2 = arith.cmpi ne, %convert_element_type3A, %cond3A : i32
    scf.if %cond3A_2 {
      %get3A = arith.constant 0 : index
      %get3A_7 = arith.constant 0 : index
      %get3A_8 = vector.load %arg1[%get3A, %get3A_7] : memref<5000x128xf32, #tpu.memory_space<vmem>>, vector<5000x128xf32>
      %get3A_9 = arith.constant 0 : index
      %get3A_10 = arith.constant 0 : index
      %get3A_11 = arith.constant 0 : index
      %get3A_12 = vector.load %arg2[%get3A_9, %get3A_10, %get3A_11] : memref<1x5000x128xf32, #tpu.memory_space<vmem>>, vector<1x5000x128xf32>
      %get3A_13 = vector.shape_cast %get3A_12 : vector<1x5000x128xf32> to vector<5000x128xf32>
      %add3A = arith.addf %get3A_8, %get3A_13 : vector<5000x128xf32>
      %get3A_14 = arith.constant 0 : index
      %get3A_15 = arith.constant 0 : index
      %get3A_16 = arith.constant 0 : index
      %get3A_17 = vector.load %arg3[%get3A_14, %get3A_15, %get3A_16] : memref<1x5000x128xf32, #tpu.memory_space<vmem>>, vector<1x5000x128xf32>
      %get3A_18 = vector.shape_cast %get3A_17 : vector<1x5000x128xf32> to vector<5000x128xf32>
      %add3A_19 = arith.addf %add3A, %get3A_18 : vector<5000x128xf32>
      %max3A = arith.constant 0.000000e+00 : f32
      %max3A_20 = vector.broadcast %max3A : f32 to vector<5000x128xf32>
      %max3A_21 = arith.maximumf %add3A_19, %max3A_20 : vector<5000x128xf32>
      %mul3A = arith.constant 5000 : i32
      %mul3A_22 = arith.muli %rem3A_0, %mul3A : i32
      %swap3A = arith.index_cast %mul3A_22 : i32 to index
      %swap3A_23 = arith.constant 0 : index
      %swap3A_24 = vector.load %arg7[%swap3A, %swap3A_23] : memref<10000x128xf32, #tpu.memory_space<vmem>>, vector<5000x128xf32>
      tpu.vector_store %arg7[%swap3A, %swap3A_23], %max3A_21 {strides = array<i32>} : memref<10000x128xf32, #tpu.memory_space<vmem>>, vector<5000x128xf32>,
      %reduce_sum3A = arith.constant dense<0.000000e+00> : vector<128xf32>
      %reduce_sum3A_25 = vector.multi_reduction <add>, %max3A_21, %reduce_sum3A [0] : vector<5000x128xf32> to vector<128xf32>
      %broadcast_in_dim3A = vector.shape_cast %reduce_sum3A_25 : vector<128xf32> to vector<1x128xf32>
      %mul3A_26 = arith.mulf %max3A_21, %max3A_21 : vector<5000x128xf32>
      %reduce_sum3A_27 = arith.constant dense<0.000000e+00> : vector<128xf32>
      %reduce_sum3A_28 = vector.multi_reduction <add>, %mul3A_26, %reduce_sum3A_27 [0] : vector<5000x128xf32> to vector<128xf32>
      %broadcast_in_dim3A_29 = vector.shape_cast %reduce_sum3A_28 : vector<128xf32> to vector<1x128xf32>
      %concatenate3A = tpu.concatenate %broadcast_in_dim3A, %broadcast_in_dim3A_29 in 0 : vector<1x128xf32>, vector<1x128xf32> -> vector<2x128xf32>
      %eq3A = arith.constant 0 : i32
      %eq3A_30 = arith.cmpi eq, %arg0, %eq3A : i32
      %convert_element_type3A_31 = arith.extui %eq3A_30 : i1 to i32
      %cond3A_32 = arith.constant 0 : i32
      %cond3A_33 = arith.cmpi ne, %convert_element_type3A_31, %cond3A_32 : i32
      scf.if %cond3A_33 {
        %swap3A_38 = arith.constant 0 : index
        %swap3A_39 = arith.constant 0 : index
        %swap3A_40 = vector.load %arg8[%swap3A_38, %swap3A_39] : memref<2x128xf32, #tpu.memory_space<vmem>>, vector<2x128xf32>
        tpu.vector_store %arg8[%swap3A_38, %swap3A_39], %concatenate3A {strides = array<i32>} : memref<2x128xf32, #tpu.memory_space<vmem>>, vector<2x128xf32>,
      } else {
      }
      %gt3A = arith.constant 0 : i32
      %gt3A_34 = arith.cmpi sgt, %arg0, %gt3A : i32
      %convert_element_type3A_35 = arith.extui %gt3A_34 : i1 to i32
      %cond3A_36 = arith.constant 0 : i32
      %cond3A_37 = arith.cmpi ne, %convert_element_type3A_35, %cond3A_36 : i32
      scf.if %cond3A_37 {
        %get3A_38 = arith.constant 0 : index
        %get3A_39 = arith.constant 0 : index
        %get3A_40 = vector.load %arg8[%get3A_38, %get3A_39] : memref<2x128xf32, #tpu.memory_space<vmem>>, vector<2x128xf32>
        %add3A_41 = arith.addf %get3A_40, %concatenate3A : vector<2x128xf32>
        %swap3A_42 = arith.constant 0 : index
        %swap3A_43 = arith.constant 0 : index
        %swap3A_44 = vector.load %arg8[%swap3A_42, %swap3A_43] : memref<2x128xf32, #tpu.memory_space<vmem>>, vector<2x128xf32>
        tpu.vector_store %arg8[%swap3A_42, %swap3A_43], %add3A_41 {strides = array<i32>} : memref<2x128xf32, #tpu.memory_space<vmem>>, vector<2x128xf32>,
      } else {
      }
    } else {
    }
    %ge3A = arith.constant 2 : i32
    %ge3A_3 = arith.cmpi sge, %arg0, %ge3A : i32
    %convert_element_type3A_4 = arith.extui %ge3A_3 : i1 to i32
    %cond3A_5 = arith.constant 0 : i32
    %cond3A_6 = arith.cmpi ne, %convert_element_type3A_4, %cond3A_5 : i32
    scf.if %cond3A_6 {
      %get3A = arith.constant 0 : index
      %get3A_7 = arith.constant 0 : index
      %get3A_8 = vector.load %arg8[%get3A, %get3A_7] : memref<2x128xf32, #tpu.memory_space<vmem>>, vector<2x128xf32>
      %slice3A = vector.extract_strided_slice %get3A_8 {offsets = [0, 0], sizes = [1, 128], strides = [1, 1]} : vector<2x128xf32> to vector<1x128xf32>
      %mul3A = arith.constant 9.99999974E-5 : f32
      %mul3A_9 = vector.broadcast %mul3A : f32 to vector<1x128xf32>
      %mul3A_10 = arith.mulf %slice3A, %mul3A_9 : vector<1x128xf32>
      %slice3A_11 = vector.extract_strided_slice %get3A_8 {offsets = [1, 0], sizes = [1, 128], strides = [1, 1]} : vector<2x128xf32> to vector<1x128xf32>
      %mul3A_12 = arith.constant 9.99999974E-5 : f32
      %mul3A_13 = vector.broadcast %mul3A_12 : f32 to vector<1x128xf32>
      %mul3A_14 = arith.mulf %slice3A_11, %mul3A_13 : vector<1x128xf32>
      %mul3A_15 = arith.mulf %mul3A_10, %mul3A_10 : vector<1x128xf32>
      %sub3A = arith.subf %mul3A_14, %mul3A_15 : vector<1x128xf32>
      %add3A = arith.constant 9.99999974E-6 : f32
      %add3A_16 = vector.broadcast %add3A : f32 to vector<1x128xf32>
      %add3A_17 = arith.addf %sub3A, %add3A_16 : vector<1x128xf32>
      %rsqrt3A = math.rsqrt %add3A_17 : vector<1x128xf32>
      %mul3A_18 = arith.constant 5000 : i32
      %mul3A_19 = arith.muli %rem3A_0, %mul3A_18 : i32
      %get3A_20 = arith.index_cast %mul3A_19 : i32 to index
      %get3A_21 = arith.constant 0 : index
      %get3A_22 = vector.load %arg7[%get3A_20, %get3A_21] : memref<10000x128xf32, #tpu.memory_space<vmem>>, vector<5000x128xf32>
      %sub3A_23 = vector.broadcast %mul3A_10 : vector<1x128xf32> to vector<5000x128xf32>
      %sub3A_24 = arith.subf %get3A_22, %sub3A_23 : vector<5000x128xf32>
      %get3A_25 = arith.constant 0 : index
      %get3A_26 = arith.constant 0 : index
      %get3A_27 = vector.load %arg4[%get3A_25, %get3A_26] : memref<1x128xf32, #tpu.memory_space<vmem>>, vector<1x128xf32>
      %mul3A_28 = arith.mulf %get3A_27, %rsqrt3A : vector<1x128xf32>
      %mul3A_29 = vector.broadcast %mul3A_28 : vector<1x128xf32> to vector<5000x128xf32>
      %mul3A_30 = arith.mulf %sub3A_24, %mul3A_29 : vector<5000x128xf32>
      %get3A_31 = arith.constant 0 : index
      %get3A_32 = arith.constant 0 : index
      %get3A_33 = vector.load %arg5[%get3A_31, %get3A_32] : memref<1x128xf32, #tpu.memory_space<vmem>>, vector<1x128xf32>
      %add3A_34 = vector.broadcast %get3A_33 : vector<1x128xf32> to vector<5000x128xf32>
      %add3A_35 = arith.addf %mul3A_30, %add3A_34 : vector<5000x128xf32>
      %swap3A = arith.constant 0 : index
      %swap3A_36 = arith.constant 0 : index
      %swap3A_37 = vector.load %arg6[%swap3A, %swap3A_36] : memref<5000x128xf32, #tpu.memory_space<vmem>>, vector<5000x128xf32>
      tpu.vector_store %arg6[%swap3A, %swap3A_36], %add3A_35 {strides = array<i32>} : memref<5000x128xf32, #tpu.memory_space<vmem>>, vector<5000x128xf32>,
    } else {
    }
    return
  }
  func.func @transform_0(%arg0: i32) -> (i32, i32) {
    %lt3A = arith.constant 2 : i32
    %lt3A_0 = arith.cmpi slt, %arg0, %lt3A : i32
    %jit3A = arith.constant 0 : i32
    %select_n3A = arith.select %lt3A_0, %arg0, %jit3A : i32
    %c0_i32 = arith.constant 0 : i32
    %c0_i32_1 = arith.constant 0 : i32
    return %select_n3A, %c0_i32 : i32, i32
  }
  func.func @transform_1(%arg0: i32) -> (i32, i32, i32) {
    %lt3A = arith.constant 2 : i32
    %lt3A_0 = arith.cmpi slt, %arg0, %lt3A : i32
    %jit3A = arith.constant 0 : i32
    %select_n3A = arith.select %lt3A_0, %arg0, %jit3A : i32
    %c0_i32 = arith.constant 0 : i32
    %c0_i32_1 = arith.constant 0 : i32
    %c0_i32_2 = arith.constant 0 : i32
    return %c0_i32, %select_n3A, %c0_i32_1 : i32, i32, i32
  }
  func.func @transform_2(%arg0: i32) -> (i32, i32, i32) {
    %lt3A = arith.constant 2 : i32
    %lt3A_0 = arith.cmpi slt, %arg0, %lt3A : i32
    %jit3A = arith.constant 0 : i32
    %select_n3A = arith.select %lt3A_0, %arg0, %jit3A : i32
    %c1_i32 = arith.constant 1 : i32
    %c0_i32 = arith.constant 0 : i32
    %c0_i32_1 = arith.constant 0 : i32
    return %c1_i32, %select_n3A, %c0_i32 : i32, i32, i32
  }
  func.func @transform_3(%arg0: i32) -> (i32, i32) {
    %c0_i32 = arith.constant 0 : i32
    %c0_i32_0 = arith.constant 0 : i32
    %c0_i32_1 = arith.constant 0 : i32
    return %c0_i32, %c0_i32_0 : i32, i32
  }
  func.func @transform_4(%arg0: i32) -> (i32, i32) {
    %c0_i32 = arith.constant 0 : i32
    %c0_i32_0 = arith.constant 0 : i32
    %c0_i32_1 = arith.constant 0 : i32
    return %c0_i32, %c0_i32_0 : i32, i32
  }
  func.func @transform_5(%arg0: i32) -> (i32, i32) {
    %jit3A = arith.constant 2 : i32
    %eq3A = arith.constant 0 : i32
    %eq3A_0 = arith.cmpi eq, %jit3A, %eq3A : i32
    %jit3A_1 = arith.constant 1 : i32
    %select_n3A = arith.select %eq3A_0, %jit3A_1, %jit3A : i32
    %rem3A = arith.remsi %arg0, %select_n3A : i32
    %ne3A = arith.constant 0 : i32
    %ne3A_2 = arith.cmpi ne, %rem3A, %ne3A : i32
    %lt3A = arith.constant 0 : i32
    %lt3A_3 = arith.cmpi slt, %rem3A, %lt3A : i32
    %lt3A_4 = arith.constant 0 : i32
    %lt3A_5 = arith.cmpi slt, %select_n3A, %lt3A_4 : i32
    %ne3A_6 = arith.xori %lt3A_3, %lt3A_5 : i1
    %and3A = arith.andi %ne3A_6, %ne3A_2 : i1
    %add3A = arith.addi %rem3A, %select_n3A : i32
    %select_n3A_7 = arith.select %and3A, %add3A, %rem3A : i32
    %c0_i32 = arith.constant 0 : i32
    %c0_i32_8 = arith.constant 0 : i32
    return %select_n3A_7, %c0_i32 : i32, i32
  }
}

</mosaic_0001>

<sc_bundles>
// kernel: kernel.6.cloned.1.call-start
scs
__scs_entry_jumppad:
0x0: {  	(pc) =	sbr.rel $0x88, $3  }
0x1: {  	(tag) =	ssettag $0x0;
	lr =	simm.s32 $0x1  }
0x2: {  	[smem:$0x3F98] =	sst lr;
	_ =	strace $0xD0000000  }
0x3: {  	_ = 	snop  }
0x4: {  	_ = 	snop  }
0x5: {  	_ = 	snop  }
0x6: {  	_ = 	snop  }
0x7: {  	_ = 	snop  }
__scs_overlays_trampoline_lowered:
0x8: {  	[smem:$0x3FA7] =	sst s0  }
0x9: {  	[smem:$0x3FA8] =	sst s1  }
0xa: {  	[smem:$0x3FA9] =	sst s2  }
0xb: {  	[smem:$0x3FAA] =	sst s3  }
0xc: {  	[smem:$0x3FAB] =	sst s4  }
0xd: {  	[smem:$0x3FAC] =	sst s5  }
0xe: {  	[smem:$0x3FAD] =	sst s6  }
0xf: {  	[smem:$0x3FAE] =	sst s7  }
0x10: {  	[smem:$0x3FAF] =	sst s8  }
0x11: {  	[smem:$0x3FB0] =	sst s9;
	s0 =	simm.s32 @!p0 $0x0  }
0x12: {  	s1 =	sld [smem:$0x3F96];
	s0 =	simm.s32 @p0 $0x1  }
0x13: {  	[smem:$0x3FB1] =	sst s0;
	s0 =	simm.s32 @!p1 $0x0  }
0x14: {  	s2 =	sld [smem:$0x3F95];
	s0 =	simm.s32 @p1 $0x1  }
0x15: {  	[smem:$0x3FB2] =	sst s0;
	s0 =	simm.s32 @!p2 $0x0  }
0x16: {  	s3 =	sld [smem:$0x3FDB];
	s0 =	simm.s32 @p2 $0x1  }
0x17: {  	s4 =	simm.s32 $0x1BF5;
	[smem:$0x3FB4] =	sst s0  }
0x18: {  	s0 =	sld [smem:$0x3F97];
	_ =	swait.ge [sflag:s4], $0x0  }
0x19: {  	s7 =	sld [smem:$0x3F98]  }
0x1a: {  	s8 =	sadd.s32 $0xFFFFE003, lr  }
0x1b: {  	s9 =	sadd.s32 $0xFFFFFEF7, lr;
	s5 =	simm.s32 $0xFFFFFFFF;
	p2 =	slt.u32 s8, $0xFFFFF086  }
0x1c: {  	p1 =	slt.u32 s9, $0xF7A;
	s5 =	simm.s32 @!p2 $0x0  }
0x1d: {  	s5 =	simm.s32 @p1 $0x1;
	p0 =	seq.s32 s7, s2  }
0x1e: {  	s7 =	smul.u32 @!p0 $0xF7A, s2;
	p2 =	seq.s32 @!p0 s5, $0x0  }
0x1f: {  	s9 =	smul.u32 $0xF7A, s1;
	s8 =	simm.s32 @!p0 $0x1BF5;
	p2 =	por !p2, p0  }
0x20: {  	[sflag:s8] =	ssyncset.s32 @!p0 $0xFFFFF086;
	s6 =	sadd.s32 @!p0 s3, s7;
	s7 =	simm.s32 @!p0 $0x108  }
0x21: {  	s3 =	sadd.s32 s3, s9;
	s6 =	sadd.s32 @!p0 $0x88, s6;
	s7 =	simm.s32 @p2 $0x1082  }
0x22: {  	[simem:s7], [sflag:s8] =	dma.local @!p0 [hbm:s6], $0xF7A  }
0x23: {  	s9 =	sor.u32 $0xD0000000, s2;
	s6 =	simm.s32 $0x108;
	_ =	swait.ge @!p0 [sflag:s8], $0x0  }
0x24: {  	s3 =	sadd.s32 $0x88, s3;
	s6 =	simm.s32 @!p1 $0x1082;
	[sflag:s4] =	ssyncset.s32 $0xFFFFF086  }
0x25: {  	[simem:s6], [sflag:s4] =	dma.local [hbm:s3], $0xF7A  }
0x26: {  	[smem:$0x3F98] =	sst s1;
	(tag) =	ssettag s2;
	_ =	strace s9  }
0x27: {  	s1 =	sld [smem:$0x3FA8]  }
0x28: {  	s2 =	sld [smem:$0x3FA9]  }
0x29: {  	s4 =	sld [smem:$0x3FAB]  }
0x2a: {  	p0 =	seq.s32 s5, $0x0;
	s5 =	sld [smem:$0x3FAC]  }
0x2b: {  	s6 =	sld [smem:$0x3FAD]  }
0x2c: {  	s7 =	sld [smem:$0x3FAE]  }
0x2d: {  	s3 =	simm.s32 $0x108;
	s8 =	sld [smem:$0x3FAF]  }
0x2e: {  	s3 =	simm.s32 @!p0 $0x1082;
	s9 =	sld [smem:$0x3FB0]  }
0x2f: {  	lr =	sadd.s32 s0, s3;
	s0 =	sld [smem:$0x3FA7]  }
0x30: {  	s3 =	sld [smem:$0x3FAA]  }
0x31: {  	[smem:$0x3FB3] =	sst s10  }
0x32: {  	s10 =	sld [smem:$0x3FB1];
	_ =	sdelay $0x3  }
0x33: {  	p0 =	seq.s32 s10, $0x1;
	s10 =	sld [smem:$0x3FB3];
	_ =	sdelay $0x3  }
0x34: {  	[smem:$0x3FB3] =	sst s10  }
0x35: {  	s10 =	sld [smem:$0x3FB2];
	_ =	sdelay $0x3  }
0x36: {  	p1 =	seq.s32 s10, $0x1;
	s10 =	sld [smem:$0x3FB3];
	_ =	sdelay $0x3  }
0x37: {  	[smem:$0x3FB3] =	sst s10  }
0x38: {  	s10 =	sld [smem:$0x3FB4]  }
0x39: {  	_ = 	snop;
	(pc) =	sbr.ind lr, $3  }
0x3a: {  	_ = 	snop  }
0x3b: {  	_ = 	snop  }
0x3c: {  	p2 =	seq.s32 s10, $0x1;
	s10 =	sld [smem:$0x3FB3]  }
0x3d: {  	_ =	shalt  }
0x3e: {  	_ =	shalt  }
0x3f: {  	_ =	shalt  }
0x40: {  	_ =	shalt  }
0x41: {  	_ =	shalt  }
0x42: {  	_ =	shalt  }
0x43: {  	_ =	shalt  }
0x44: {  	_ =	shalt  }
0x45: {  	_ =	shalt  }
0x46: {  	_ =	shalt  }
0x47: {  	_ =	shalt  }
0x48: {  	_ =	shalt  }
0x49: {  	_ =	shalt  }
0x4a: {  	_ =	shalt  }
0x4b: {  	_ =	shalt  }
0x4c: {  	_ =	shalt  }
0x4d: {  	_ =	shalt  }
0x4e: {  	_ =	shalt  }
0x4f: {  	_ =	shalt  }
0x50: {  	_ =	shalt  }
0x51: {  	_ =	shalt  }
0x52: {  	_ =	shalt  }
0x53: {  	_ =	shalt  }
0x54: {  	_ =	shalt  }
0x55: {  	_ =	shalt  }
0x56: {  	_ =	shalt  }
0x57: {  	_ =	shalt  }
0x58: {  	_ =	shalt  }
0x59: {  	_ =	shalt  }
0x5a: {  	_ =	shalt  }
0x5b: {  	_ =	shalt  }
0x5c: {  	_ =	shalt  }
0x5d: {  	_ =	shalt  }
0x5e: {  	_ =	shalt  }
0x5f: {  	_ =	shalt  }
0x60: {  	_ =	shalt  }
0x61: {  	_ =	shalt  }
0x62: {  	_ =	shalt  }
0x63: {  	_ =	shalt  }
0x64: {  	_ =	shalt  }
0x65: {  	_ =	shalt  }
0x66: {  	_ =	shalt  }
0x67: {  	_ =	shalt  }
0x68: {  	_ =	shalt  }
0x69: {  	_ =	shalt  }
0x6a: {  	_ =	shalt  }
0x6b: {  	_ =	shalt  }
0x6c: {  	_ =	shalt  }
0x6d: {  	_ =	shalt  }
0x6e: {  	_ =	shalt  }
0x6f: {  	_ =	shalt  }
0x70: {  	_ =	shalt  }
0x71: {  	_ =	shalt  }
0x72: {  	_ =	shalt  }
0x73: {  	_ =	shalt  }
0x74: {  	_ =	shalt  }
0x75: {  	_ =	shalt  }
0x76: {  	_ =	shalt  }
0x77: {  	_ =	shalt  }
0x78: {  	_ =	shalt  }
0x79: {  	_ =	shalt  }
0x7a: {  	_ =	shalt  }
0x7b: {  	_ =	shalt  }
0x7c: {  	_ =	shalt  }
0x7d: {  	_ =	shalt  }
0x7e: {  	_ =	shalt  }
0x7f: {  	_ =	shalt  }
0x80: {  	_ =	shalt  }
0x81: {  	_ =	shalt  }
0x82: {  	_ =	shalt  }
0x83: {  	_ =	shalt  }
0x84: {  	_ =	shalt  }
0x85: {  	_ =	shalt  }
0x86: {  	_ =	shalt  }
0x87: {  	_ =	shalt  }
.Lfunc_end0:
.L_simem_size_0:
called_computation_lowered:
.L_overlay_start_0:
0x88: {  	s2 =	sld [smem:$0x3FD9]  }
0x89: {  	s3 =	sld [smem:$0x3FFE];
	_ =	sdelay $0x1  }
0x8a: {  	s1 =	srdreg.scid  }
0x8b: {  	s0 =	sand.u32 $0x1, s1  }
0x8c: {  	s17 =	sshll.u32 s0, $0xA;
	s2 =	sadd.s32 s3, s2  }
0x8d: {  	s2 =	sadd.s32 s2, s17  }
0x8e: {  	[smem:$0x3FBF] =	sst s2  }
0x8f: {  	_ = 	snop  }
0x90: {  	s2 =	sld [smem:$0x3FD0];
	(tm) =	ssettm $0x1  }
0x91: {  	s18 =	sld [smem:$0x3FFB];
	_ =	sdelay $0x3  }
0x92: {  	_ =	strace s18  }
0x93: {  	s3 =	sld [smem:$0x3FFC];
	_ =	sdelay $0x3  }
0x94: {  	_ =	strace s3  }
0x95: {  	s3 =	sld [smem:$0x3FFD];
	_ =	sdelay $0x3  }
0x96: {  	_ =	strace s3  }
0x97: {  	_ =	strace $0x8FFFFFFF  }
0x98: {  	s19 =	sld [smem:$0x3FDB];
	_ =	sdelay $0x1  }
0x99: {  	s4 =	simm.s32 $_scs_section_size  }
0x9a: {  	s5 =	simm.s32 $_size__tile_overlayer_lowered;
	s6 =	simm.s32 $_tile_overlayer_lowered  }
0x9b: {  	s22 =	simm.s32 $0x1BFF;
	s21 =	sshll.u32 s6, $0x1;
	s3 =	sadd.s32 s4, s19  }
0x9c: {  	s7 =	simm.s32 $0x0;
	s20 =	sshll.u32 s5, $0x1;
	s5 =	sadd.s32 s21, s3  }
0x9d: {  	[timem:s7], [sflag:s22] =	dma.local [hbm:s5], s20  }
0x9e: {  	_ =	swait.ge [sflag:s22], s20  }
0x9f: {  	s4 =	ssub.s32 $0x0, s20;
	[sflag:s22] =	ssyncset.done $0x0  }
0xa0: {  	[sflag:s22] =	ssyncadd.s32 s4;
	_ =	sdelay $0x1  }
0xa1: {  	s23 =	simm.s32 $0x1B8B  }
0xa2: {  	_ =	swait.ge [sflag:s23], $0x1  }
0xa3: {  	[sflag:s23] =	ssyncset.done $0x0  }
0xa4: {  	s25 =	simm.s32 $0x1B8E;
	s24 =	sld [smem:$0x3FFE];
	[sflag:s23] =	ssyncadd.s32 $0xFFFFFFFF  }
0xa5: {  	s26 =	simm.s32 $execute0_lowered;
	[smem:$0x3FD2] =	sst s25  }
0xa6: {  	s5 =	sshll.u32 s26, $0x1;
	_ =	strace $0x80000046;
	[dreg:$0x1] =	wrdreg $0xFFFFFFFF  }
0xa7: {  	s28 =	simm.s32 $_size_execute0_lowered;
	s3 =	sadd.s32 s3, s5;
	[dreg:$0x0] =	wrdreg $0x0  }
0xa8: {  	s5 =	sshll.u32 s28, $0x1;
	[dreg:$0x2] =	wrdreg s3  }
0xa9: {  	[dreg:$0x3] =	wrdreg s5  }
0xaa: {  	[dreg:$0x4] =	wrdreg $0xC0  }
0xab: {  	_ =	task [dreg:s7], $0x5FFFF  }
0xac: {  	[dreg:$0x1] =	wrdreg $0xFFFFFFFF  }
0xad: {  	[dreg:$0x0] =	wrdreg $0x60  }
0xae: {  	[dreg:$0x2] =	wrdreg s2  }
0xaf: {  	[dreg:$0x3] =	wrdreg s24  }
0xb0: {  	[dreg:$0x4] =	wrdreg $0xA8000  }
0xb1: {  	[dreg:$0x5] =	wrdreg $0x9  }
0xb2: {  	_ =	task.clear_ibuf [dreg:s7], $0x6FFFF;
	_ =	strace $0x90000046  }
0xb3: {  	s29 =	simm.s32 $0x9;
	_ =	strace $0x80000048  }
0xb4: {  	_ =	swait.ge [sflag:s29], $0x1  }
0xb5: {  	[sflag:s29] =	ssyncadd.s32 $0xFFFFFFFF  }
0xb6: {  	_ =	strace $0x90000048  }
0xb7: {  	_ =	sfence  }
0xb8: {  	s30 =	sld [smem:$0x0];
	_ =	sdelay $0x2  }
0xb9: {  	s31 =	sshll.u32 s1, $0xD;
	s1 =	sshrl.u32 s1, $0x2  }
0xba: {  	s3 =	sand.u32 $0x4000, s31;
	s1 =	sadd.s32 s1, s30  }
0xbb: {  	s0 =	sor.u32 s3, s0;
	s1 =	sshll.u32 s1, $0x11  }
0xbc: {  	s0 =	sor.u32 s1, s0  }
0xbd: {  	s0 =	sadd.s32 $0x8F2B, s0  }
0xbe: {  	[sflag:s0] =	ssyncadd.remote.s32 $0x1  }
0xbf: {  	_ =	sfence.sel $0xFFFF  }
0xc0: {  	[dreg:$0x0] =	wrdreg $0xFFFFFFFF;
	(pc) =	sbr.abs _section_cstart, $3  }
0xc1: {  	[dreg:$0x1] =	wrdreg $0xFFFFFFFF  }
0xc2: {  	_ =	task.clear_ibuf [dreg:s7], $0x2FFFF;
	_ =	strace $0x9FFFFFFF  }
0xc3: {  	(tm) =	ssettm $0x7FFFFFFF  }
tec
execute0_lowered:
.L_overlay_start_1:
0x0: {  	(tag) =	ssettag $0x1  }
0x1: {  	s5 =	rddreg [dreg:$0x0]  }
0x2: {  	s6 =	rddreg [dreg:$0x1]  }
0x3: {  	s1 =	rddreg [dreg:$0x2]  }
0x4: {  	s0 =	rddreg [dreg:$0x3];
	s3 =	simm.s32 $0x0;
	s4 =	srdreg.scid  }
0x5: {  	s2 =	stileid.u32;
	s15 =	simm.s32 $0x8000;
	s16 =	simm.s32 $0x1  }
0x6: {  	s17 =	simm.s32 $0x0;
	[smem:$0x7FF] =	sst s3;
	s7 =	sand.u32 $0x1, s4  }
0x7: {  	s28 =	sshll.u32 s2, $0xC;
	s9 =	smul.u32 $0x13C00, s2;
	s4 =	sadd.s32 $0x10E00, s6  }
0x8: {  	s29 =	smul.u32 $0x4F000, s2;
	s31 =	sshll.u32 s2, $0x6;
	s8 =	sshll.u32 s7, $0xB  }
0x9: {  	_ =	strace $0x80000047;
	s10 =	smul.u32 $0x13C000, s7;
	s7 =	ssub.s32 $0x2, s7  }
0xa: {  	s8 =	sor.u32 s8, s28;
	s12 =	sshrl.u32 s9, $0x3;
	s13 =	sshrl.u32 s7, $0x1  }
0xb: {  	s30 =	sshrl.u32 s29, $0x2;
	s11 =	sadd.s32 s8, s6;
	s9 =	sadd.s32 s9, s10  }
0xc: {  	s12 =	sadd.s32 s12, s6;
	s13 =	ssub.s32 s7, s13;
	s5 =	sadd.s32 s5, s8  }
0xd: {  	s14 =	sadd.s32 s30, s1;
	s10 =	simm.s32 $0x2;
	s9 =	sshrl.u32 s9, $0x3  }
0xe: {  	s7 =	sadd.s32 $0x86200, s12;
	s12 =	sor.u32 $0x1C02, s31;
	s9 =	sadd.s32 s9, s6  }
0xf: {  	s6 =	sadd.s32 $0xE00, s11;
	s11 =	simm.s32 $0x4000;
	s8 =	sadd.s32 $0xADA00, s9  }
0x10: {  	s9 =	smax.u32 s13, $0x1;
	s13 =	sshrl.u32 s14, $0x3;
	s14 =	simm.s32 $0x50  }
.LBB2_1:
0x11: {  	[tilespmem:s3], [sflag:$0x2] =	stream.linear.gather [hbm4b:s5+s3], $0x3E80, $0x38;
	[tilespmem:$0x1E400] =	vst v63  }
0x12: {  	_ =	swait.ge [sflag:s10], $0x3E80  }
0x13: {  	[sflag:s10] =	ssyncset.done $0x0  }
0x14: {  	[sflag:s10] =	ssyncadd.s32 $0xFFFFC180  }
0x15: {  	[tilespmem:s11], [sflag:$0x2] =	stream.linear.gather [hbm4b:s6+s3], $0x3E80, $0x38;
	[tilespmem:$0x1E400] =	vst v63  }
0x16: {  	_ =	swait.ge [sflag:s10], $0x3E80  }
0x17: {  	[sflag:s10] =	ssyncset.done $0x0  }
0x18: {  	[sflag:s10] =	ssyncadd.s32 $0xFFFFC180  }
0x19: {  	[spmem:s13], [sflag:s12] =	dma.local [hbm:s7], $0x2780  }
0x1a: {  	_ =	swait.ge [sflag:s10], $0x2780  }
0x1b: {  	[sflag:s10] =	ssyncset.done $0x0  }
0x1c: {  	[sflag:s10] =	ssyncadd.s32 $0xFFFFD880  }
0x1d: {  	s18 =	simm.s32 $0x0;
	[bflag:$0x0] =	sbarrier.arrive $0xFFFF  }
0x1e: {  	[tilespmem:s15], [sflag:$0x1] =	stream.indirect.gather [hbm4b:s4+s14], $0x80, s18, s14, $0xb8;
	[tilespmem:$0x1E400] =	vst v63  }
0x1f: {  	_ =	swait.ge [sflag:s16], $0x2800  }
0x20: {  	[sflag:s16] =	ssyncset.done $0x0  }
0x21: {  	s31 =	simm.s32 $0x4000;
	[sflag:s16] =	ssyncadd.s32 $0xFFFFD800  }
0x22: {  	[spmem:s1] =	stream.indirect.scatter.add.f32 [tilespmem:s15], [sflag:$0x2], $0x80, s31, s14, $0xb8;
	[tilespmem:$0x1E400] =	vst v63  }
0x23: {  	_ =	swait.ge [sflag:s10], $0x2800  }
0x24: {  	s19 =	simm.s32 $0x400;
	s18 =	simm.s32 $0x200;
	[sflag:s10] =	ssyncset.done $0x0  }
.LBB2_2:
0x25: {  	s20 =	sshra.s32 s18, $0x2  }
0x26: {  	[sflag:s10] =	ssyncadd.s32 $0xFFFFD800;
	s18 =	smov.u32 s19;
	s21 =	sadd.s32 $0x200, s19  }
0x27: {  	[tilespmem:s15], [sflag:$0x1] =	stream.indirect.gather [hbm4b:s4+s14], $0x80, s20, s14, $0xb8;
	[tilespmem:$0x1E400] =	vst v63  }
0x28: {  	p0 =	sne.s32 s19, $0xF800;
	_ =	swait.ge [sflag:s16], $0x2800  }
.Ltmp0:
0x29: {  	[sflag:s16] =	ssyncset.done $0x0;
	(pc) =	sbr.rel @p0 .LBB2_2-.Ltmp0, $4  }
0x2a: {  	s19 =	sadd.s32 $0x4000, s20;
	[sflag:s16] =	ssyncadd.s32 $0xFFFFD800  }
0x2b: {  	[spmem:s1] =	stream.indirect.scatter.add.f32 [tilespmem:s15], [sflag:$0x2], $0x80, s19, s14, $0xb8;
	[tilespmem:$0x1E400] =	vst v63  }
0x2c: {  	_ =	swait.ge [sflag:s10], $0x2800  }
0x2d: {  	s19 =	smov.u32 s21;
	[sflag:s10] =	ssyncset.done $0x0  }
0x2e: {  	s18 =	sshra.s32 s18, $0x2;
	[sflag:s10] =	ssyncadd.s32 $0xFFFFD800  }
0x2f: {  	[tilespmem:s15], [sflag:$0x1] =	stream.indirect.gather [hbm4b:s4+s14], $0x80, s18, s14, $0xb8;
	[tilespmem:$0x1E400] =	vst v63  }
0x30: {  	_ =	swait.ge [sflag:s16], $0x2800  }
0x31: {  	[sflag:s16] =	ssyncset.done $0x0  }
0x32: {  	s18 =	sadd.s32 $0x4000, s18;
	[sflag:s16] =	ssyncadd.s32 $0xFFFFD800  }
0x33: {  	[spmem:s1] =	stream.indirect.scatter.add.f32 [tilespmem:s15], [sflag:$0x2], $0x80, s18, s14, $0xb8;
	[tilespmem:$0x1E400] =	vst v63  }
0x34: {  	_ =	swait.ge [sflag:s10], $0x2800  }
0x35: {  	s17 =	sadd.s32 $0x1, s17;
	[sflag:s10] =	ssyncset.done $0x0  }
0x36: {  	p0 =	sne.s32 s17, s9;
	[sflag:s10] =	ssyncadd.s32 $0xFFFFD800  }
.Ltmp1:
0x37: {  	[bflag:$0x0] =	sbarrier.arrive $0xFFFF;
	(pc) =	sbr.rel @p0 .LBB2_1-.Ltmp1, $4  }
0x38: {  	[hbm:s8], [sflag:s12] =	dma.local [spmem:s13], $0x2780  }
0x39: {  	_ =	swait.ge [sflag:s10], $0x2780  }
0x3a: {  	[sflag:s10] =	ssyncset.done $0x0  }
0x3b: {  	[sflag:s10] =	ssyncadd.s32 $0xFFFFD880  }
0x3c: {  	_ =	sfence.sel $0x180000  }
0x3d: {  	[bflag:$0x0] =	sbarrier.arrive $0xFFFF  }
0x3e: {  	p0 =	sne.s32 s2, $0x0;
	_ =	strace $0x90000047  }
0x3f: {  	s0 =	sadd.s32 @!p0 $0x100000, s0;
	[bflag:$0x2] =	sbarrier.arrive $0xFFFF  }
0x40: {  	[sflag:s0] =	ssyncadd.tile.s32 @!p0 $0x1;
	_ =	shalt  }
.Lfunc_end2:
_tile_overlayer_lowered:
.L_overlay_start_2:
0x41: {  	(tag) =	ssettag $0x2  }
0x42: {  	s0 =	rddreg [dreg:$0x0];
	s2 =	stileid.u32  }
0x43: {  	s1 =	rddreg [dreg:$0x1];
	p0 =	sne.s32 s2, $0x0  }
0x44: {  	s3 =	rddreg [dreg:$0x2];
	[bflag:$0x3] =	sbarrier.arrive $0xFFFF;
	s2 =	simm.s32 @!p0 $0x1C02  }
0x45: {  	[timem:s3], [sflag:s2] =	dma.local @!p0 [hbm:s0], s1  }
0x46: {  	s0 =	simm.s32 @!p0 $0x2  }
0x47: {  	_ =	swait.ge @!p0 [sflag:s0], s1  }
0x48: {  	s1 =	ssub.s32 @!p0 $0x0, s1;
	[sflag:s0] =	ssyncset.done @!p0 $0x0  }
0x49: {  	[sflag:s0] =	ssyncadd.s32 @!p0 s1  }
0x4a: {  	[bflag:$0x3] =	sbarrier.arrive $0xFFFF  }
0x4b: {  	_ =	shalt  }

</sc_bundles>
